<compile_context>
chip_gen: v7x
topology: tpu7x:2x2x1
jax: 0.10.2.dev20260603
libtpu: 0.0.44.dev20260713+nightly
codegen_flags: <defaults>
</compile_context>

<pallas_src>
import jax
import jax.numpy as jnp
from jax import lax
from jax.experimental import pallas as pl
from jax.experimental.pallas import tpu as pltpu
from jax.experimental.pallas import tpu_sc as plsc

N = 10000
E = 320000
D = 128

NC = 2
NS = 16
NW = NC * NS

CHUNK = 128
EPW = 10240
NCHUNK = EPW // CHUNK
EP = EPW * NW
NPAD = 10240
ROWS_PER_TILE = NPAD // NS


def _mesh():
    return plsc.VectorSubcoreMesh(
        core_axis_name="c", subcore_axis_name="s", num_cores=NC, num_subcores=NS
    )



def _deg_body(cols_hbm, out_hbm, col_v, ones_v, deg_sh, zrow_v, semd):
    cid = lax.axis_index("c")
    sid = lax.axis_index("s")
    wid = sid * NC + cid

    zero16 = jnp.zeros((16,), jnp.float32)
    one16 = jnp.ones((16,), jnp.float32)
    for k in range(CHUNK // 16):
        ones_v[pl.ds(k * 16, 16)] = one16

    def zfill(i, _):
        zrow_v[pl.ds(i * 16, 16)] = zero16
        return 0
    lax.fori_loop(0, ROWS_PER_TILE // 16, zfill, 0)

    pltpu.sync_copy(zrow_v, deg_sh.at[pl.ds(sid * ROWS_PER_TILE, ROWS_PER_TILE)])
    plsc.subcore_barrier()

    pltpu.sync_copy(cols_hbm.at[wid], col_v)

    def body(j, _):
        pltpu.async_copy(ones_v, deg_sh.at[col_v.at[j]], semd, add=True)
        return 0
    lax.fori_loop(0, NCHUNK, body, 0)

    def drain(j, _):
        pltpu.make_async_copy(ones_v, deg_sh.at[col_v.at[j]], semd).wait()
        return 0
    lax.fori_loop(0, NCHUNK, drain, 0)
    plsc.subcore_barrier()

    pltpu.sync_copy(
        deg_sh.at[pl.ds(sid * ROWS_PER_TILE, ROWS_PER_TILE)],
        out_hbm.at[cid, pl.ds(sid * ROWS_PER_TILE, ROWS_PER_TILE)],
    )


@jax.jit
def _sc_deg(cols3):
    return pl.kernel(
        _deg_body,
        out_type=jax.ShapeDtypeStruct((NC, NPAD), jnp.float32),
        mesh=_mesh(),
        scratch_types=[
            pltpu.VMEM((NCHUNK, CHUNK), jnp.int32),
            pltpu.VMEM((CHUNK,), jnp.float32),
            pltpu.VMEM_SHARED((NPAD,), jnp.float32),
            pltpu.VMEM((ROWS_PER_TILE,), jnp.float32),
            pltpu.SemaphoreType.DMA,
        ],
    )(cols3)



def _hop_body(hs_hbm, pk_hbm, out_hbm,
              pk_v, row_u, col_u, gbuf0, gbuf1, zblk_v, acc_sh, sem0, sem1):
    cid = lax.axis_index("c")
    sid = lax.axis_index("s")
    wid = sid * NC + cid

    pk_cp = pltpu.async_copy(pk_hbm.at[wid], pk_v, sem1)

    zero16 = jnp.zeros((16,), jnp.float32)

    def zfill(i, _):
        for k in range(D // 16):
            zblk_v[i, pl.ds(k * 16, 16)] = zero16
        return 0
    lax.fori_loop(0, 16, zfill, 0)

    def zcopy(i, _):
        pltpu.async_copy(
            zblk_v, acc_sh.at[pl.ds(sid * ROWS_PER_TILE + i * 16, 16)], sem0
        )
        return 0
    lax.fori_loop(0, ROWS_PER_TILE // 16, zcopy, 0)

    def zdrain(i, _):
        pltpu.make_async_copy(
            zblk_v, acc_sh.at[pl.ds(sid * ROWS_PER_TILE + i * 16, 16)], sem0
        ).wait()
        return 0
    lax.fori_loop(0, ROWS_PER_TILE // 16, zdrain, 0)
    pk_cp.wait()
    plsc.subcore_barrier()

    def unpack(j, s):
        for k in range(CHUNK // 16):
            p = pk_v[j, pl.ds(k * 16, 16)]
            row_u[s, pl.ds(k * 16, 16)] = jnp.bitwise_and(p, 0xFFFF)
            col_u[s, pl.ds(k * 16, 16)] = jnp.right_shift(p, 16)
        return 0

    unpack(0, 0)
    pltpu.async_copy(hs_hbm.at[row_u.at[0]], gbuf0, sem0)

    def pair(p, _):
        unpack(2 * p + 1, 1)
        pltpu.async_copy(hs_hbm.at[row_u.at[1]], gbuf1, sem1)
        pltpu.make_async_copy(hs_hbm.at[row_u.at[0]], gbuf0, sem0).wait()
        pltpu.sync_copy(gbuf0, acc_sh.at[col_u.at[0]], add=True)

        @pl.when(p + 1 < NCHUNK // 2)
        def _():
            unpack(2 * p + 2, 0)
            pltpu.async_copy(hs_hbm.at[row_u.at[0]], gbuf0, sem0)
        pltpu.make_async_copy(hs_hbm.at[row_u.at[1]], gbuf1, sem1).wait()
        pltpu.sync_copy(gbuf1, acc_sh.at[col_u.at[1]], add=True)
        return 0

    lax.fori_loop(0, NCHUNK // 2, pair, 0)
    plsc.subcore_barrier()

    pltpu.sync_copy(
        acc_sh.at[pl.ds(sid * ROWS_PER_TILE, ROWS_PER_TILE)],
        out_hbm.at[cid, pl.ds(sid * ROWS_PER_TILE, ROWS_PER_TILE)],
    )


@jax.jit
def _sc_hop(hs, pk3):
    return pl.kernel(
        _hop_body,
        out_type=jax.ShapeDtypeStruct((NC, NPAD, D), jnp.float32),
        mesh=_mesh(),
        scratch_types=[
            pltpu.VMEM((NCHUNK, CHUNK), jnp.int32),
            pltpu.VMEM((2, CHUNK), jnp.int32),
            pltpu.VMEM((2, CHUNK), jnp.int32),
            pltpu.VMEM((CHUNK, D), jnp.float32),
            pltpu.VMEM((CHUNK, D), jnp.float32),
            pltpu.VMEM((16, D), jnp.float32),
            pltpu.VMEM_SHARED((NPAD, D), jnp.float32),
            pltpu.SemaphoreType.DMA,
            pltpu.SemaphoreType.DMA,
        ],
    )(hs, pk3)



ROWB = 2000


def _dis_block(degp_blk):
    deg = degp_blk[:, 0:1] + degp_blk[:, 1:2] + 1.0
    return lax.rsqrt(deg)


def _mm_body(x_ref, w_ref, b_ref, out_ref):
    out_ref[...] = lax.dot_general(
        x_ref[...], w_ref[...], (((1,), (1,)), ((), ())),
        preferred_element_type=jnp.float32,
    ) + b_ref[...]


def _tc_mm(x, W, b):
    return pl.pallas_call(
        _mm_body,
        grid=(N // ROWB,),
        in_specs=[
            pl.BlockSpec((ROWB, D), lambda i: (i, 0)),
            pl.BlockSpec((D, D), lambda i: (0, 0)),
            pl.BlockSpec((1, D), lambda i: (0, 0)),
        ],
        out_specs=pl.BlockSpec((ROWB, D), lambda i: (i, 0)),
        out_shape=jax.ShapeDtypeStruct((N, D), jnp.float32),
    )(x, W, b.reshape(1, D))


def _scale_body(h_ref, degp_ref, out_ref):
    dis = _dis_block(degp_ref[...])
    out_ref[...] = dis * h_ref[...]


def _tc_scale(h, degp):
    return pl.pallas_call(
        _scale_body,
        grid=(N // ROWB,),
        in_specs=[
            pl.BlockSpec((ROWB, D), lambda i: (i, 0)),
            pl.BlockSpec((ROWB, 2), lambda i: (i, 0)),
        ],
        out_specs=pl.BlockSpec((ROWB, D), lambda i: (i, 0)),
        out_shape=jax.ShapeDtypeStruct((N, D), jnp.float32),
    )(h, degp)


def _mid_body(g_ref, hs_ref, degp_ref, out_ref):
    dis = _dis_block(degp_ref[...])
    t = g_ref[0] + g_ref[1] + hs_ref[...]
    out_ref[...] = (dis * dis) * t


@jax.jit
def _tc_mid(g, hs, degp):
    return pl.pallas_call(
        _mid_body,
        grid=(N // ROWB,),
        in_specs=[
            pl.BlockSpec((2, ROWB, D), lambda i: (0, i, 0)),
            pl.BlockSpec((ROWB, D), lambda i: (i, 0)),
            pl.BlockSpec((ROWB, 2), lambda i: (i, 0)),
        ],
        out_specs=pl.BlockSpec((ROWB, D), lambda i: (i, 0)),
        out_shape=jax.ShapeDtypeStruct((N, D), jnp.float32),
    )(g, hs, degp)


def _fin_body(g_ref, hs_ref, degp_ref, out_ref):
    dis = _dis_block(degp_ref[...])
    h = dis * (g_ref[0] + g_ref[1] + hs_ref[...])
    m = jnp.max(h, axis=1, keepdims=True)
    z = h - m
    lse = jnp.log(jnp.sum(jnp.exp(z), axis=1, keepdims=True))
    out_ref[...] = z - lse


@jax.jit
def _tc_fin(g, hs, degp):
    return pl.pallas_call(
        _fin_body,
        grid=(N // ROWB,),
        in_specs=[
            pl.BlockSpec((2, ROWB, D), lambda i: (0, i, 0)),
            pl.BlockSpec((ROWB, D), lambda i: (i, 0)),
            pl.BlockSpec((ROWB, 2), lambda i: (i, 0)),
        ],
        out_specs=pl.BlockSpec((ROWB, D), lambda i: (i, 0)),
        out_shape=jax.ShapeDtypeStruct((N, D), jnp.float32),
    )(g, hs, degp)



def kernel(x, edge_index, W, b):
    row = edge_index[0]
    col = edge_index[1]
    pad = EP - E
    arp = jnp.arange(pad, dtype=jnp.int32)
    rowp = jnp.concatenate([row, arp % N])
    colp = jnp.concatenate([col, N + arp % (NPAD - N)])
    cols3 = colp.reshape(NW, NCHUNK, CHUNK)
    pk3 = (rowp | (colp << 16)).reshape(NW, NCHUNK, CHUNK)

    h = _tc_mm(x, W, b)
    degp_full = _sc_deg(cols3)
    degp = degp_full[:, :N].T

    hs1 = _tc_scale(h, degp)
    g1 = _sc_hop(hs1, pk3)
    hs2 = _tc_mid(g1, hs1, degp)
    g2 = _sc_hop(hs2, pk3)
    return _tc_fin(g2, hs2, degp)

# --- scband reference (transcript-rebuilt; emitter-appended) ---
"""Pipeline reference for scband-sgc-17514876633904 (READ-ONLY COPY).

The authoritative reference and input builder live on the scoring server;
editing this copy changes nothing except your own understanding.
"""

import jax, jax.numpy as jnp
import numpy as np

N = 10000
E = 320000
D = 128


def setup_inputs(seed: int = 0) -> dict:
    key = jax.random.key(seed)
    k1, k2, k3, k4 = jax.random.split(key, 4)
    x = jax.random.normal(k1, (N, D), dtype=jnp.float32)
    edge_index = jax.random.randint(k2, (2, E), 0, N, dtype=jnp.int32)
    # Linear layer params (PyTorch nn.Linear: y = x @ W.T + b)
    bound = 1.0 / np.sqrt(D)
    W = jax.random.uniform(k3, (D, D), minval=-bound, maxval=bound, dtype=jnp.float32)
    b = jax.random.uniform(k4, (D,), minval=-bound, maxval=bound, dtype=jnp.float32)
    return {"x": x, "edge_index": edge_index, "W": W, "b": b}


def _gcn_norm(edge_index, num_nodes, dtype):
    # add self loops (improved=False -> fill value 1.0)
    loop = jnp.arange(num_nodes, dtype=edge_index.dtype)
    row = jnp.concatenate([edge_index[0], loop])
    col = jnp.concatenate([edge_index[1], loop])
    ew = jnp.ones(row.shape[0], dtype=dtype)
    deg = jax.ops.segment_sum(ew, col, num_segments=num_nodes)
    safe_deg = jnp.where(deg > 0, deg, 1.0)
    deg_inv_sqrt = jnp.where(deg > 0, 1.0 / jnp.sqrt(safe_deg), 0.0)
    norm = deg_inv_sqrt[row] * ew * deg_inv_sqrt[col]
    return row, col, norm


def reference(x, edge_index, W, b):
    num_nodes = x.shape[0]
    row, col, norm = _gcn_norm(edge_index, num_nodes, x.dtype)
    # linear
    h = x @ W.T + b
    # K=2 propagation steps: out[i] = sum_{(j->i)} norm_e * h[j]
    for _ in range(2):
        msg = norm[:, None] * h[row]
        h = jax.ops.segment_sum(msg, col, num_segments=num_nodes)
    return jax.nn.log_softmax(h, axis=1)

if __name__ == "__main__":
    import jax
    _d = setup_inputs()
    print(jax.jit(kernel)(*tuple(_d.values())))

</pallas_src>

<mosaic_0001>
#map = affine_map<(d0, d1) -> (0, 0, 0)>
#map1 = affine_map<(d0, d1) -> (0, 0)>
module attributes {stable_mosaic.version = 14 : i64} {
  func.func @_deg_body(%arg0: i32, %arg1: i32, %arg2: memref<32x80x128xi32, #tpu.memory_space<hbm>>, %arg3: memref<2x10240xf32, #tpu.memory_space<hbm>>, %arg4: memref<80x128xi32, #tpu.memory_space<vmem>>, %arg5: memref<128xf32, #tpu.memory_space<vmem>>, %arg6: memref<10240xf32, #tpu.memory_space<vmem_shared>>, %arg7: memref<640xf32, #tpu.memory_space<vmem>>, %arg8: memref<!tpu.dma_semaphore, #tpu.memory_space<semaphore_mem>>) attributes {dimension_semantics = [#tpu.dimension_semantics<core_parallel>, #tpu.dimension_semantics<subcore_parallel>], iteration_bounds = array<i64: 2, 16>, scalar_prefetch = 0 : i64, scratch_operands = 5 : i64, tpu.core_type = #tpu.core_type<sc_vector_subcore>, window_params = [{transform_indices = #map}, {transform_indices = #map1}]} {
    %mul3A = arith.constant 2 : i32
    %mul3A_0 = arith.muli %arg1, %mul3A : i32
    %add3A = arith.addi %mul3A_0, %arg0 : i32
    %broadcast_in_dim3A = arith.constant 0.000000e+00 : f32
    %broadcast_in_dim3A_1 = vector.broadcast %broadcast_in_dim3A : f32 to vector<16xf32>
    %broadcast_in_dim3A_2 = arith.constant 1.000000e+00 : f32
    %broadcast_in_dim3A_3 = vector.broadcast %broadcast_in_dim3A_2 : f32 to vector<16xf32>
    %swap3A = arith.constant 0 : index
    %swap3A_4 = tpu.vector_load %arg5[%swap3A] {strides = array<i32>} : memref<128xf32, #tpu.memory_space<vmem>>, vector<16xf32>,
    %swap3A_5 = vector.shape_cast %swap3A_4 : vector<16xf32> to vector<16xf32>
    %swap3A_6 = vector.shape_cast %broadcast_in_dim3A_3 : vector<16xf32> to vector<16xf32>
    tpu.vector_store %arg5[%swap3A], %swap3A_6 {strides = array<i32>} : memref<128xf32, #tpu.memory_space<vmem>>, vector<16xf32>,
    %swap3A_7 = arith.constant 16 : index
    %swap3A_8 = tpu.vector_load %arg5[%swap3A_7] {strides = array<i32>} : memref<128xf32, #tpu.memory_space<vmem>>, vector<16xf32>,
    %swap3A_9 = vector.shape_cast %swap3A_8 : vector<16xf32> to vector<16xf32>
    %swap3A_10 = vector.shape_cast %broadcast_in_dim3A_3 : vector<16xf32> to vector<16xf32>
    tpu.vector_store %arg5[%swap3A_7], %swap3A_10 {strides = array<i32>} : memref<128xf32, #tpu.memory_space<vmem>>, vector<16xf32>,
    %swap3A_11 = arith.constant 32 : index
    %swap3A_12 = tpu.vector_load %arg5[%swap3A_11] {strides = array<i32>} : memref<128xf32, #tpu.memory_space<vmem>>, vector<16xf32>,
    %swap3A_13 = vector.shape_cast %swap3A_12 : vector<16xf32> to vector<16xf32>
    %swap3A_14 = vector.shape_cast %broadcast_in_dim3A_3 : vector<16xf32> to vector<16xf32>
    tpu.vector_store %arg5[%swap3A_11], %swap3A_14 {strides = array<i32>} : memref<128xf32, #tpu.memory_space<vmem>>, vector<16xf32>,
    %swap3A_15 = arith.constant 48 : index
    %swap3A_16 = tpu.vector_load %arg5[%swap3A_15] {strides = array<i32>} : memref<128xf32, #tpu.memory_space<vmem>>, vector<16xf32>,
    %swap3A_17 = vector.shape_cast %swap3A_16 : vector<16xf32> to vector<16xf32>
    %swap3A_18 = vector.shape_cast %broadcast_in_dim3A_3 : vector<16xf32> to vector<16xf32>
    tpu.vector_store %arg5[%swap3A_15], %swap3A_18 {strides = array<i32>} : memref<128xf32, #tpu.memory_space<vmem>>, vector<16xf32>,
    %swap3A_19 = arith.constant 64 : index
    %swap3A_20 = tpu.vector_load %arg5[%swap3A_19] {strides = array<i32>} : memref<128xf32, #tpu.memory_space<vmem>>, vector<16xf32>,
    %swap3A_21 = vector.shape_cast %swap3A_20 : vector<16xf32> to vector<16xf32>
    %swap3A_22 = vector.shape_cast %broadcast_in_dim3A_3 : vector<16xf32> to vector<16xf32>
    tpu.vector_store %arg5[%swap3A_19], %swap3A_22 {strides = array<i32>} : memref<128xf32, #tpu.memory_space<vmem>>, vector<16xf32>,
    %swap3A_23 = arith.constant 80 : index
    %swap3A_24 = tpu.vector_load %arg5[%swap3A_23] {strides = array<i32>} : memref<128xf32, #tpu.memory_space<vmem>>, vector<16xf32>,
    %swap3A_25 = vector.shape_cast %swap3A_24 : vector<16xf32> to vector<16xf32>
    %swap3A_26 = vector.shape_cast %broadcast_in_dim3A_3 : vector<16xf32> to vector<16xf32>
    tpu.vector_store %arg5[%swap3A_23], %swap3A_26 {strides = array<i32>} : memref<128xf32, #tpu.memory_space<vmem>>, vector<16xf32>,
    %swap3A_27 = arith.constant 96 : index
    %swap3A_28 = tpu.vector_load %arg5[%swap3A_27] {strides = array<i32>} : memref<128xf32, #tpu.memory_space<vmem>>, vector<16xf32>,
    %swap3A_29 = vector.shape_cast %swap3A_28 : vector<16xf32> to vector<16xf32>
    %swap3A_30 = vector.shape_cast %broadcast_in_dim3A_3 : vector<16xf32> to vector<16xf32>
    tpu.vector_store %arg5[%swap3A_27], %swap3A_30 {strides = array<i32>} : memref<128xf32, #tpu.memory_space<vmem>>, vector<16xf32>,
    %swap3A_31 = arith.constant 112 : index
    %swap3A_32 = tpu.vector_load %arg5[%swap3A_31] {strides = array<i32>} : memref<128xf32, #tpu.memory_space<vmem>>, vector<16xf32>,
    %swap3A_33 = vector.shape_cast %swap3A_32 : vector<16xf32> to vector<16xf32>
    %swap3A_34 = vector.shape_cast %broadcast_in_dim3A_3 : vector<16xf32> to vector<16xf32>
    tpu.vector_store %arg5[%swap3A_31], %swap3A_34 {strides = array<i32>} : memref<128xf32, #tpu.memory_space<vmem>>, vector<16xf32>,
    %scan3A = arith.constant 0 : i32
    %scan3A_35 = arith.constant 0 : i32
    %scan3A_36 = arith.constant 40 : i32
    %scan3A_37 = arith.addi %scan3A_35, %scan3A_36 : i32
    %scan3A_38 = arith.constant 1 : i32
    %scan3A_39 = scf.for %scan3A_62 = %scan3A_35 to %scan3A_37 step %scan3A_38 iter_args(%scan3A_63 = %scan3A) -> (i32)  : i32 {
      %mul3A_64 = arith.constant 16 : i32
      %mul3A_65 = arith.muli %scan3A_62, %mul3A_64 : i32
      %swap3A_66 = arith.index_cast %mul3A_65 : i32 to index
      %swap3A_67 = tpu.vector_load %arg7[%swap3A_66] {strides = array<i32>} : memref<640xf32, #tpu.memory_space<vmem>>, vector<16xf32>,
      %swap3A_68 = vector.shape_cast %swap3A_67 : vector<16xf32> to vector<16xf32>
      %swap3A_69 = vector.shape_cast %broadcast_in_dim3A_1 : vector<16xf32> to vector<16xf32>
      tpu.vector_store %arg7[%swap3A_66], %swap3A_69 {strides = array<i32>} : memref<640xf32, #tpu.memory_space<vmem>>, vector<16xf32>,
      %scan3A_70 = arith.constant 0 : i32
      scf.yield %scan3A_70 : i32
    }
    %scan3A_40 = arith.constant 40 : i32
    %mul3A_41 = arith.constant 640 : i32
    %mul3A_42 = arith.muli %arg1, %mul3A_41 : i32
    "tpu.region"() ({
      %run_scoped3A = tpu.sem_alloc : memref<!tpu.dma_semaphore, #tpu.memory_space<semaphore_mem>>
      %dma_start3A = tpu.memref_slice %arg6[%mul3A_42] : memref<10240xf32, #tpu.memory_space<vmem_shared>> -> memref<640xf32, #tpu.memory_space<vmem_shared>>
      %dma_start3A_62 = tpu.memref_slice %arg6[%mul3A_42] : memref<10240xf32, #tpu.memory_space<vmem_shared>> -> memref<640xf32, #tpu.memory_space<vmem_shared>>
      tpu.enqueue_dma source(%arg7 : memref<640xf32, #tpu.memory_space<vmem>>) target(%dma_start3A_62 : memref<640xf32, #tpu.memory_space<vmem_shared>>) target_semaphore(%run_scoped3A : memref<!tpu.dma_semaphore, #tpu.memory_space<semaphore_mem>>)
      %dma_wait3A = tpu.memref_slice %arg6[%mul3A_42] : memref<10240xf32, #tpu.memory_space<vmem_shared>> -> memref<640xf32, #tpu.memory_space<vmem_shared>>
      %dma_wait3A_63 = tpu.memref_slice %arg6[%mul3A_42] : memref<10240xf32, #tpu.memory_space<vmem_shared>> -> memref<640xf32, #tpu.memory_space<vmem_shared>>
      tpu.wait_dma2 semaphore(%run_scoped3A : memref<!tpu.dma_semaphore, #tpu.memory_space<semaphore_mem>>) src(%arg7 : memref<640xf32, #tpu.memory_space<vmem>>) dst(%dma_wait3A_63 : memref<640xf32, #tpu.memory_space<vmem_shared>>)
      tpu.yield
    }) : () -> ()
    %barrier3A = arith.constant 0 : index
    tpu.barrier barrier_id(%barrier3A)
    "tpu.region"() ({
      %run_scoped3A = tpu.sem_alloc : memref<!tpu.dma_semaphore, #tpu.memory_space<semaphore_mem>>
      %dma_start3A = arith.constant 0 : i32
      %dma_start3A_62 = arith.constant 0 : i32
      %dma_start3A_63 = tpu.memref_slice %arg2[%add3A, %dma_start3A, %dma_start3A_62] : memref<32x80x128xi32, #tpu.memory_space<hbm>> -> memref<1x80x128xi32, #tpu.memory_space<hbm>>
      %dma_start3A_64 = tpu.memref_squeeze %dma_start3A_63 : memref<1x80x128xi32, #tpu.memory_space<hbm>> -> memref<80x128xi32, #tpu.memory_space<hbm>>
      %dma_start3A_65 = arith.constant 0 : i32
      %dma_start3A_66 = arith.constant 0 : i32
      %dma_start3A_67 = tpu.memref_slice %arg2[%add3A, %dma_start3A_65, %dma_start3A_66] : memref<32x80x128xi32, #tpu.memory_space<hbm>> -> memref<1x80x128xi32, #tpu.memory_space<hbm>>
      %dma_start3A_68 = tpu.memref_squeeze %dma_start3A_67 : memref<1x80x128xi32, #tpu.memory_space<hbm>> -> memref<80x128xi32, #tpu.memory_space<hbm>>
      tpu.enqueue_dma source(%dma_start3A_68 : memref<80x128xi32, #tpu.memory_space<hbm>>) target(%arg4 : memref<80x128xi32, #tpu.memory_space<vmem>>) target_semaphore(%run_scoped3A : memref<!tpu.dma_semaphore, #tpu.memory_space<semaphore_mem>>)
      %dma_wait3A = arith.constant 0 : i32
      %dma_wait3A_69 = arith.constant 0 : i32
      %dma_wait3A_70 = tpu.memref_slice %arg2[%add3A, %dma_wait3A, %dma_wait3A_69] : memref<32x80x128xi32, #tpu.memory_space<hbm>> -> memref<1x80x128xi32, #tpu.memory_space<hbm>>
      %dma_wait3A_71 = tpu.memref_squeeze %dma_wait3A_70 : memref<1x80x128xi32, #tpu.memory_space<hbm>> -> memref<80x128xi32, #tpu.memory_space<hbm>>
      %dma_wait3A_72 = arith.constant 0 : i32
      %dma_wait3A_73 = arith.constant 0 : i32
      %dma_wait3A_74 = tpu.memref_slice %arg2[%add3A, %dma_wait3A_72, %dma_wait3A_73] : memref<32x80x128xi32, #tpu.memory_space<hbm>> -> memref<1x80x128xi32, #tpu.memory_space<hbm>>
      %dma_wait3A_75 = tpu.memref_squeeze %dma_wait3A_74 : memref<1x80x128xi32, #tpu.memory_space<hbm>> -> memref<80x128xi32, #tpu.memory_space<hbm>>
      tpu.wait_dma2 semaphore(%run_scoped3A : memref<!tpu.dma_semaphore, #tpu.memory_space<semaphore_mem>>) src(%dma_wait3A_75 : memref<80x128xi32, #tpu.memory_space<hbm>>) dst(%arg4 : memref<80x128xi32, #tpu.memory_space<vmem>>)
      tpu.yield
    }) : () -> ()
    %scan3A_43 = arith.constant 0 : i32
    %scan3A_44 = arith.constant 0 : i32
    %scan3A_45 = arith.constant 80 : i32
    %scan3A_46 = arith.addi %scan3A_44, %scan3A_45 : i32
    %scan3A_47 = arith.constant 1 : i32
    %scan3A_48 = scf.for %scan3A_62 = %scan3A_44 to %scan3A_46 step %scan3A_47 iter_args(%scan3A_63 = %scan3A_43) -> (i32)  : i32 {
      %dma_start3A = arith.constant 0 : i32
      %dma_start3A_64 = tpu.memref_slice %arg4[%scan3A_62, %dma_start3A] : memref<80x128xi32, #tpu.memory_space<vmem>> -> memref<1x128xi32, #tpu.memory_space<vmem>>
      %dma_start3A_65 = tpu.memref_squeeze %dma_start3A_64 : memref<1x128xi32, #tpu.memory_space<vmem>> -> memref<128xi32, #tpu.memory_space<vmem>>
      %dma_start3A_66 = arith.constant 0 : i32
      %dma_start3A_67 = tpu.memref_slice %arg6[%dma_start3A_66] : memref<10240xf32, #tpu.memory_space<vmem_shared>> -> memref<10240xf32, #tpu.memory_space<vmem_shared>>
      tpu.enqueue_indirect_dma source(%arg5 : memref<128xf32, #tpu.memory_space<vmem>>) target(%dma_start3A_67 : memref<10240xf32, #tpu.memory_space<vmem_shared>>) offsets(%dma_start3A_65 : memref<128xi32, #tpu.memory_space<vmem>>) semaphore(%arg8 : memref<!tpu.dma_semaphore, #tpu.memory_space<semaphore_mem>>) {add = true}
      %scan3A_68 = arith.constant 0 : i32
      scf.yield %scan3A_68 : i32
    }
    %scan3A_49 = arith.constant 80 : i32
    %scan3A_50 = arith.constant 0 : i32
    %scan3A_51 = arith.constant 0 : i32
    %scan3A_52 = arith.constant 80 : i32
    %scan3A_53 = arith.addi %scan3A_51, %scan3A_52 : i32
    %scan3A_54 = arith.constant 1 : i32
    %scan3A_55 = scf.for %scan3A_62 = %scan3A_51 to %scan3A_53 step %scan3A_54 iter_args(%scan3A_63 = %scan3A_50) -> (i32)  : i32 {
      %dma_wait3A = arith.constant 0 : i32
      %dma_wait3A_64 = tpu.memref_slice %arg4[%scan3A_62, %dma_wait3A] : memref<80x128xi32, #tpu.memory_space<vmem>> -> memref<1x128xi32, #tpu.memory_space<vmem>>
      %dma_wait3A_65 = tpu.memref_squeeze %dma_wait3A_64 : memref<1x128xi32, #tpu.memory_space<vmem>> -> memref<128xi32, #tpu.memory_space<vmem>>
      %dma_wait3A_66 = arith.constant 0 : i32
      %dma_wait3A_67 = tpu.memref_slice %arg6[%dma_wait3A_66] : memref<10240xf32, #tpu.memory_space<vmem_shared>> -> memref<10240xf32, #tpu.memory_space<vmem_shared>>
      tpu.wait_indirect_dma semaphore(%arg8 : memref<!tpu.dma_semaphore, #tpu.memory_space<semaphore_mem>>) src(%arg5 : memref<128xf32, #tpu.memory_space<vmem>>) dst(%dma_wait3A_67 : memref<10240xf32, #tpu.memory_space<vmem_shared>>)
      %scan3A_68 = arith.constant 0 : i32
      scf.yield %scan3A_68 : i32
    }
    %scan3A_56 = arith.constant 80 : i32
    %barrier3A_57 = arith.constant 0 : index
    tpu.barrier barrier_id(%barrier3A_57)
    %mul3A_58 = arith.constant 640 : i32
    %mul3A_59 = arith.muli %arg1, %mul3A_58 : i32
    %mul3A_60 = arith.constant 640 : i32
    %mul3A_61 = arith.muli %arg1, %mul3A_60 : i32
    "tpu.region"() ({
      %run_scoped3A = tpu.sem_alloc : memref<!tpu.dma_semaphore, #tpu.memory_space<semaphore_mem>>
      %dma_start3A = tpu.memref_slice %arg3[%arg0, %mul3A_61] : memref<2x10240xf32, #tpu.memory_space<hbm>> -> memref<1x640xf32, #tpu.memory_space<hbm>>
      %dma_start3A_62 = tpu.memref_squeeze %dma_start3A : memref<1x640xf32, #tpu.memory_space<hbm>> -> memref<640xf32, #tpu.memory_space<hbm>>
      %dma_start3A_63 = tpu.memref_slice %arg6[%mul3A_59] : memref<10240xf32, #tpu.memory_space<vmem_shared>> -> memref<640xf32, #tpu.memory_space<vmem_shared>>
      tpu.enqueue_dma source(%dma_start3A_63 : memref<640xf32, #tpu.memory_space<vmem_shared>>) target(%dma_start3A_62 : memref<640xf32, #tpu.memory_space<hbm>>) target_semaphore(%run_scoped3A : memref<!tpu.dma_semaphore, #tpu.memory_space<semaphore_mem>>)
      %dma_wait3A = tpu.memref_slice %arg3[%arg0, %mul3A_61] : memref<2x10240xf32, #tpu.memory_space<hbm>> -> memref<1x640xf32, #tpu.memory_space<hbm>>
      %dma_wait3A_64 = tpu.memref_squeeze %dma_wait3A : memref<1x640xf32, #tpu.memory_space<hbm>> -> memref<640xf32, #tpu.memory_space<hbm>>
      %dma_wait3A_65 = tpu.memref_slice %arg6[%mul3A_59] : memref<10240xf32, #tpu.memory_space<vmem_shared>> -> memref<640xf32, #tpu.memory_space<vmem_shared>>
      tpu.wait_dma2 semaphore(%run_scoped3A : memref<!tpu.dma_semaphore, #tpu.memory_space<semaphore_mem>>) src(%dma_wait3A_65 : memref<640xf32, #tpu.memory_space<vmem_shared>>) dst(%dma_wait3A_64 : memref<640xf32, #tpu.memory_space<hbm>>)
      tpu.yield
    }) : () -> ()
    return
  }
}

</mosaic_0001>

<sc_bundles>
// kernel: _sc_deg.3.cloned.1.call-start
scs
__scs_entry_jumppad:
0x0: {  	(pc) =	sbr.rel $0x88, $3  }
0x1: {  	(tag) =	ssettag $0x0;
	lr =	simm.s32 $0x1  }
0x2: {  	[smem:$0x3FA0] =	sst lr;
	_ =	strace $0xD0000000  }
0x3: {  	_ = 	snop  }
0x4: {  	_ = 	snop  }
0x5: {  	_ = 	snop  }
0x6: {  	_ = 	snop  }
0x7: {  	_ = 	snop  }
__scs_overlays_trampoline_lowered:
0x8: {  	[smem:$0x3FAF] =	sst s0  }
0x9: {  	[smem:$0x3FB0] =	sst s1  }
0xa: {  	[smem:$0x3FB1] =	sst s2  }
0xb: {  	[smem:$0x3FB2] =	sst s3  }
0xc: {  	[smem:$0x3FB3] =	sst s4  }
0xd: {  	[smem:$0x3FB4] =	sst s5  }
0xe: {  	[smem:$0x3FB5] =	sst s6  }
0xf: {  	[smem:$0x3FB6] =	sst s7  }
0x10: {  	[smem:$0x3FB7] =	sst s8  }
0x11: {  	[smem:$0x3FB8] =	sst s9;
	s0 =	simm.s32 @!p0 $0x0  }
0x12: {  	s1 =	sld [smem:$0x3F9E];
	s0 =	simm.s32 @p0 $0x1  }
0x13: {  	[smem:$0x3FB9] =	sst s0;
	s0 =	simm.s32 @!p1 $0x0  }
0x14: {  	s2 =	sld [smem:$0x3F9D];
	s0 =	simm.s32 @p1 $0x1  }
0x15: {  	[smem:$0x3FBA] =	sst s0;
	s0 =	simm.s32 @!p2 $0x0  }
0x16: {  	s3 =	sld [smem:$0x3FDB];
	s0 =	simm.s32 @p2 $0x1  }
0x17: {  	s4 =	simm.s32 $0x1BF5;
	[smem:$0x3FBC] =	sst s0  }
0x18: {  	s0 =	sld [smem:$0x3F9F];
	_ =	swait.ge [sflag:s4], $0x0  }
0x19: {  	s7 =	sld [smem:$0x3FA0]  }
0x1a: {  	s8 =	sadd.s32 $0xFFFFE003, lr  }
0x1b: {  	s9 =	sadd.s32 $0xFFFFFEF7, lr;
	s5 =	simm.s32 $0xFFFFFFFF;
	p2 =	slt.u32 s8, $0xFFFFF086  }
0x1c: {  	p1 =	slt.u32 s9, $0xF7A;
	s5 =	simm.s32 @!p2 $0x0  }
0x1d: {  	s5 =	simm.s32 @p1 $0x1;
	p0 =	seq.s32 s7, s2  }
0x1e: {  	s7 =	smul.u32 @!p0 $0xF7A, s2;
	p2 =	seq.s32 @!p0 s5, $0x0  }
0x1f: {  	s9 =	smul.u32 $0xF7A, s1;
	s8 =	simm.s32 @!p0 $0x1BF5;
	p2 =	por !p2, p0  }
0x20: {  	[sflag:s8] =	ssyncset.s32 @!p0 $0xFFFFF086;
	s6 =	sadd.s32 @!p0 s3, s7;
	s7 =	simm.s32 @!p0 $0x108  }
0x21: {  	s3 =	sadd.s32 s3, s9;
	s6 =	sadd.s32 @!p0 $0x88, s6;
	s7 =	simm.s32 @p2 $0x1082  }
0x22: {  	[simem:s7], [sflag:s8] =	dma.local @!p0 [hbm:s6], $0xF7A  }
0x23: {  	s9 =	sor.u32 $0xD0000000, s2;
	s6 =	simm.s32 $0x108;
	_ =	swait.ge @!p0 [sflag:s8], $0x0  }
0x24: {  	s3 =	sadd.s32 $0x88, s3;
	s6 =	simm.s32 @!p1 $0x1082;
	[sflag:s4] =	ssyncset.s32 $0xFFFFF086  }
0x25: {  	[simem:s6], [sflag:s4] =	dma.local [hbm:s3], $0xF7A  }
0x26: {  	[smem:$0x3FA0] =	sst s1;
	(tag) =	ssettag s2;
	_ =	strace s9  }
0x27: {  	s1 =	sld [smem:$0x3FB0]  }
0x28: {  	s2 =	sld [smem:$0x3FB1]  }
0x29: {  	s4 =	sld [smem:$0x3FB3]  }
0x2a: {  	p0 =	seq.s32 s5, $0x0;
	s5 =	sld [smem:$0x3FB4]  }
0x2b: {  	s6 =	sld [smem:$0x3FB5]  }
0x2c: {  	s7 =	sld [smem:$0x3FB6]  }
0x2d: {  	s3 =	simm.s32 $0x108;
	s8 =	sld [smem:$0x3FB7]  }
0x2e: {  	s3 =	simm.s32 @!p0 $0x1082;
	s9 =	sld [smem:$0x3FB8]  }
0x2f: {  	lr =	sadd.s32 s0, s3;
	s0 =	sld [smem:$0x3FAF]  }
0x30: {  	s3 =	sld [smem:$0x3FB2]  }
0x31: {  	[smem:$0x3FBB] =	sst s10  }
0x32: {  	s10 =	sld [smem:$0x3FB9];
	_ =	sdelay $0x3  }
0x33: {  	p0 =	seq.s32 s10, $0x1;
	s10 =	sld [smem:$0x3FBB];
	_ =	sdelay $0x3  }
0x34: {  	[smem:$0x3FBB] =	sst s10  }
0x35: {  	s10 =	sld [smem:$0x3FBA];
	_ =	sdelay $0x3  }
0x36: {  	p1 =	seq.s32 s10, $0x1;
	s10 =	sld [smem:$0x3FBB];
	_ =	sdelay $0x3  }
0x37: {  	[smem:$0x3FBB] =	sst s10  }
0x38: {  	s10 =	sld [smem:$0x3FBC]  }
0x39: {  	_ = 	snop;
	(pc) =	sbr.ind lr, $3  }
0x3a: {  	_ = 	snop  }
0x3b: {  	_ = 	snop  }
0x3c: {  	p2 =	seq.s32 s10, $0x1;
	s10 =	sld [smem:$0x3FBB]  }
0x3d: {  	_ =	shalt  }
0x3e: {  	_ =	shalt  }
0x3f: {  	_ =	shalt  }
0x40: {  	_ =	shalt  }
0x41: {  	_ =	shalt  }
0x42: {  	_ =	shalt  }
0x43: {  	_ =	shalt  }
0x44: {  	_ =	shalt  }
0x45: {  	_ =	shalt  }
0x46: {  	_ =	shalt  }
0x47: {  	_ =	shalt  }
0x48: {  	_ =	shalt  }
0x49: {  	_ =	shalt  }
0x4a: {  	_ =	shalt  }
0x4b: {  	_ =	shalt  }
0x4c: {  	_ =	shalt  }
0x4d: {  	_ =	shalt  }
0x4e: {  	_ =	shalt  }
0x4f: {  	_ =	shalt  }
0x50: {  	_ =	shalt  }
0x51: {  	_ =	shalt  }
0x52: {  	_ =	shalt  }
0x53: {  	_ =	shalt  }
0x54: {  	_ =	shalt  }
0x55: {  	_ =	shalt  }
0x56: {  	_ =	shalt  }
0x57: {  	_ =	shalt  }
0x58: {  	_ =	shalt  }
0x59: {  	_ =	shalt  }
0x5a: {  	_ =	shalt  }
0x5b: {  	_ =	shalt  }
0x5c: {  	_ =	shalt  }
0x5d: {  	_ =	shalt  }
0x5e: {  	_ =	shalt  }
0x5f: {  	_ =	shalt  }
0x60: {  	_ =	shalt  }
0x61: {  	_ =	shalt  }
0x62: {  	_ =	shalt  }
0x63: {  	_ =	shalt  }
0x64: {  	_ =	shalt  }
0x65: {  	_ =	shalt  }
0x66: {  	_ =	shalt  }
0x67: {  	_ =	shalt  }
0x68: {  	_ =	shalt  }
0x69: {  	_ =	shalt  }
0x6a: {  	_ =	shalt  }
0x6b: {  	_ =	shalt  }
0x6c: {  	_ =	shalt  }
0x6d: {  	_ =	shalt  }
0x6e: {  	_ =	shalt  }
0x6f: {  	_ =	shalt  }
0x70: {  	_ =	shalt  }
0x71: {  	_ =	shalt  }
0x72: {  	_ =	shalt  }
0x73: {  	_ =	shalt  }
0x74: {  	_ =	shalt  }
0x75: {  	_ =	shalt  }
0x76: {  	_ =	shalt  }
0x77: {  	_ =	shalt  }
0x78: {  	_ =	shalt  }
0x79: {  	_ =	shalt  }
0x7a: {  	_ =	shalt  }
0x7b: {  	_ =	shalt  }
0x7c: {  	_ =	shalt  }
0x7d: {  	_ =	shalt  }
0x7e: {  	_ =	shalt  }
0x7f: {  	_ =	shalt  }
0x80: {  	_ =	shalt  }
0x81: {  	_ =	shalt  }
0x82: {  	_ =	shalt  }
0x83: {  	_ =	shalt  }
0x84: {  	_ =	shalt  }
0x85: {  	_ =	shalt  }
0x86: {  	_ =	shalt  }
0x87: {  	_ =	shalt  }
.Lfunc_end0:
.L_simem_size_0:
called_computation_lowered:
.L_overlay_start_0:
0x88: {  	s2 =	sld [smem:$0x3FD9]  }
0x89: {  	s3 =	sld [smem:$0x3FFE];
	_ =	sdelay $0x1  }
0x8a: {  	s1 =	srdreg.scid  }
0x8b: {  	s0 =	sand.u32 $0x1, s1  }
0x8c: {  	s18 =	sshll.u32 s0, $0xA;
	s2 =	sadd.s32 s3, s2  }
0x8d: {  	s2 =	sadd.s32 s2, s18  }
0x8e: {  	[smem:$0x3FC7] =	sst s2  }
0x8f: {  	_ = 	snop  }
0x90: {  	s2 =	sld [smem:$0x3FC9]  }
0x91: {  	s19 =	sld [smem:$0x3FD0];
	(tm) =	ssettm $0x1  }
0x92: {  	s4 =	sld [smem:$0x3FFB];
	_ =	sdelay $0x3  }
0x93: {  	_ =	strace s4  }
0x94: {  	s4 =	sld [smem:$0x3FFC];
	_ =	sdelay $0x3  }
0x95: {  	_ =	strace s4  }
0x96: {  	s4 =	sld [smem:$0x3FFD];
	_ =	sdelay $0x3  }
0x97: {  	_ =	strace s4  }
0x98: {  	_ =	strace $0x8FFFFFFF  }
0x99: {  	s20 =	sld [smem:$0x3FDB];
	_ =	sdelay $0x1  }
0x9a: {  	s5 =	simm.s32 $_scs_section_size  }
0x9b: {  	s6 =	simm.s32 $_size__tile_overlayer_lowered;
	s7 =	simm.s32 $_tile_overlayer_lowered  }
0x9c: {  	s23 =	simm.s32 $0x1BFF;
	s22 =	sshll.u32 s7, $0x1;
	s4 =	sadd.s32 s5, s20  }
0x9d: {  	s8 =	simm.s32 $0x0;
	s21 =	sshll.u32 s6, $0x1;
	s6 =	sadd.s32 s22, s4  }
0x9e: {  	[timem:s8], [sflag:s23] =	dma.local [hbm:s6], s21  }
0x9f: {  	_ =	swait.ge [sflag:s23], s21  }
0xa0: {  	s5 =	ssub.s32 $0x0, s21;
	[sflag:s23] =	ssyncset.done $0x0  }
0xa1: {  	[sflag:s23] =	ssyncadd.s32 s5;
	_ =	sdelay $0x1  }
0xa2: {  	s24 =	simm.s32 $0x1B8B  }
0xa3: {  	_ =	swait.ge [sflag:s24], $0x1  }
0xa4: {  	[sflag:s24] =	ssyncset.done $0x0  }
0xa5: {  	s25 =	simm.s32 $0x1B8E;
	[sflag:s24] =	ssyncadd.s32 $0xFFFFFFFF  }
0xa6: {  	s26 =	simm.s32 $execute0_lowered;
	[smem:$0x3FD2] =	sst s25  }
0xa7: {  	s5 =	sshll.u32 s26, $0x1;
	_ =	strace $0x80000046;
	[dreg:$0x1] =	wrdreg $0xFFFFFFFF  }
0xa8: {  	s28 =	simm.s32 $_size_execute0_lowered;
	s4 =	sadd.s32 s4, s5;
	[dreg:$0x0] =	wrdreg $0x0  }
0xa9: {  	s5 =	sshll.u32 s28, $0x1;
	[dreg:$0x2] =	wrdreg s4  }
0xaa: {  	[dreg:$0x3] =	wrdreg s5  }
0xab: {  	[dreg:$0x4] =	wrdreg $0xC0  }
0xac: {  	_ =	task [dreg:s8], $0x5FFFF  }
0xad: {  	[dreg:$0x1] =	wrdreg $0xFFFFFFFF  }
0xae: {  	[dreg:$0x0] =	wrdreg $0x60  }
0xaf: {  	[dreg:$0x2] =	wrdreg s2  }
0xb0: {  	[dreg:$0x3] =	wrdreg s19  }
0xb1: {  	[dreg:$0x4] =	wrdreg $0x28800  }
0xb2: {  	[dreg:$0x5] =	wrdreg $0x9  }
0xb3: {  	_ =	task.clear_ibuf [dreg:s8], $0x6FFFF;
	_ =	strace $0x90000046  }
0xb4: {  	s29 =	simm.s32 $0x9;
	_ =	strace $0x80000048  }
0xb5: {  	_ =	swait.ge [sflag:s29], $0x1  }
0xb6: {  	[sflag:s29] =	ssyncadd.s32 $0xFFFFFFFF  }
0xb7: {  	_ =	strace $0x90000048  }
0xb8: {  	_ =	sfence  }
0xb9: {  	s30 =	sld [smem:$0x0];
	_ =	sdelay $0x2  }
0xba: {  	s31 =	sshll.u32 s1, $0xD;
	s1 =	sshrl.u32 s1, $0x2  }
0xbb: {  	s3 =	sand.u32 $0x4000, s31;
	s1 =	sadd.s32 s1, s30  }
0xbc: {  	s0 =	sor.u32 s3, s0;
	s1 =	sshll.u32 s1, $0x11  }
0xbd: {  	s0 =	sor.u32 s1, s0  }
0xbe: {  	s0 =	sadd.s32 $0x8F2B, s0  }
0xbf: {  	[sflag:s0] =	ssyncadd.remote.s32 $0x1  }
0xc0: {  	_ =	sfence.sel $0xFFFF  }
0xc1: {  	[dreg:$0x0] =	wrdreg $0xFFFFFFFF;
	(pc) =	sbr.abs _section_cstart, $3  }
0xc2: {  	[dreg:$0x1] =	wrdreg $0xFFFFFFFF  }
0xc3: {  	_ =	task.clear_ibuf [dreg:s8], $0x2FFFF;
	_ =	strace $0x9FFFFFFF  }
0xc4: {  	(tm) =	ssettm $0x7FFFFFFF  }
0xc5: {  	_ =	shalt  }
tec
execute0_lowered:
.L_overlay_start_1:
0x0: {  	(tag) =	ssettag $0x1  }
0x1: {  	s5 =	rddreg [dreg:$0x0]  }
0x2: {  	s6 =	rddreg [dreg:$0x1]  }
0x3: {  	s1 =	rddreg [dreg:$0x2]  }
0x4: {  	s0 =	rddreg [dreg:$0x3]  }
0x5: {  	s3 =	simm.s32 $0x0;
	s4 =	srdreg.scid;
	s2 =	stileid.u32  }
0x6: {  	s12 =	simm.s32 $0x1;
	s15 =	simm.s32 $0x20;
	s16 =	simm.s32 $0x10  }
0x7: {  	s17 =	simm.s32 $0x0;
	[smem:$0x7FF] =	sst s3;
	s9 =	smul.u32 $0x500, s2  }
0x8: {  	s4 =	sand.u32 $0x1, s4;
	s8 =	sshll.u32 s2, $0x1;
	s10 =	smul.u32 $0xA00, s2  }
0x9: {  	s13 =	sshll.u32 s2, $0x6;
	_ =	strace $0x80000047;
	s7 =	ssub.s32 $0x2, s4  }
0xa: {  	s8 =	sor.u32 s4, s8;
	s4 =	sshll.u32 s4, $0x7;
	s13 =	sor.u32 $0x1C02, s13  }
0xb: {  	s11 =	sshrl.u32 s7, $0x1;
	s8 =	smul.u32 $0x500, s8;
	s4 =	sor.u32 s4, s9  }
0xc: {  	s30 =	sshrl.u32 s10, $0x2;
	s9 =	simm.s32 $0x2;
	s10 =	simm.s32 $0x80  }
0xd: {  	s7 =	ssub.s32 s7, s11;
	s31 =	sshrl.u32 s4, $0x3;
	s4 =	sadd.s32 s30, s1  }
0xe: {  	s11 =	simm.s32 $0x2800;
	s5 =	sadd.s32 s5, s8;
	s6 =	sadd.s32 s6, s31  }
0xf: {  	v0 =	vimm.f32 $1.000000000e+00;
	v1 =	vimm.f32 $0.0e+00;
	s7 =	smax.u32 s7, $0x1;
	s8 =	simm.s32 $0x2B00;
	s14 =	sshrl.u32 s4, $0x3  }
.LBB2_1:
0x10: {  	[tilespmem:$0x2800] =	vst v0  }
0x11: {  	[tilespmem:$0x2810] =	vst v0  }
0x12: {  	[tilespmem:$0x2820] =	vst v0  }
0x13: {  	[tilespmem:$0x2830] =	vst v0  }
0x14: {  	[tilespmem:$0x2840] =	vst v0  }
0x15: {  	[tilespmem:$0x2850] =	vst v0  }
0x16: {  	[tilespmem:$0x2860] =	vst v0  }
0x17: {  	[tilespmem:$0x2870] =	vst v0  }
0x18: {  	[tilespmem:$0x2B00] =	vst v1  }
0x19: {  	[tilespmem:$0x2B10] =	vst v1  }
0x1a: {  	[tilespmem:$0x2B20] =	vst v1  }
0x1b: {  	[tilespmem:$0x2B30] =	vst v1  }
0x1c: {  	[tilespmem:$0x2B40] =	vst v1  }
0x1d: {  	[tilespmem:$0x2B50] =	vst v1  }
0x1e: {  	[tilespmem:$0x2B60] =	vst v1  }
0x1f: {  	[tilespmem:$0x2B70] =	vst v1  }
0x20: {  	[tilespmem:$0x2B80] =	vst v1  }
0x21: {  	[tilespmem:$0x2B90] =	vst v1  }
0x22: {  	[tilespmem:$0x2BA0] =	vst v1  }
0x23: {  	[tilespmem:$0x2BB0] =	vst v1  }
0x24: {  	[tilespmem:$0x2BC0] =	vst v1  }
0x25: {  	[tilespmem:$0x2BD0] =	vst v1  }
0x26: {  	[tilespmem:$0x2BE0] =	vst v1  }
0x27: {  	[tilespmem:$0x2BF0] =	vst v1  }
0x28: {  	[tilespmem:$0x2C00] =	vst v1  }
0x29: {  	[tilespmem:$0x2C10] =	vst v1  }
0x2a: {  	[tilespmem:$0x2C20] =	vst v1  }
0x2b: {  	[tilespmem:$0x2C30] =	vst v1  }
0x2c: {  	[tilespmem:$0x2C40] =	vst v1  }
0x2d: {  	[tilespmem:$0x2C50] =	vst v1  }
0x2e: {  	[tilespmem:$0x2C60] =	vst v1  }
0x2f: {  	[tilespmem:$0x2C70] =	vst v1  }
0x30: {  	[tilespmem:$0x2C80] =	vst v1  }
0x31: {  	[tilespmem:$0x2C90] =	vst v1  }
0x32: {  	[tilespmem:$0x2CA0] =	vst v1  }
0x33: {  	[tilespmem:$0x2CB0] =	vst v1  }
0x34: {  	[tilespmem:$0x2CC0] =	vst v1  }
0x35: {  	[tilespmem:$0x2CD0] =	vst v1  }
0x36: {  	[tilespmem:$0x2CE0] =	vst v1  }
0x37: {  	[tilespmem:$0x2CF0] =	vst v1  }
0x38: {  	[tilespmem:$0x2D00] =	vst v1  }
0x39: {  	[tilespmem:$0x2D10] =	vst v1  }
0x3a: {  	[tilespmem:$0x2D20] =	vst v1  }
0x3b: {  	[tilespmem:$0x2D30] =	vst v1  }
0x3c: {  	[tilespmem:$0x2D40] =	vst v1  }
0x3d: {  	[tilespmem:$0x2D50] =	vst v1  }
0x3e: {  	[tilespmem:$0x2D60] =	vst v1  }
0x3f: {  	[tilespmem:$0x2D70] =	vst v1  }
0x40: {  	[spmem:s4] =	stream.linear.scatter [tilespmem:s8], [sflag:$0x2], $0x280, $0x38;
	[tilespmem:$0x2D80] =	vst v63  }
0x41: {  	_ =	swait.ge [sflag:s9], $0x280  }
0x42: {  	[sflag:s9] =	ssyncset.done $0x0  }
0x43: {  	[sflag:s9] =	ssyncadd.s32 $0xFFFFFD80  }
0x44: {  	[bflag:$0x0] =	sbarrier.arrive $0xFFFF  }
0x45: {  	[tilespmem:s3], [sflag:$0x2] =	stream.linear.gather [hbm4b:s5+s3], $0x2800, $0x38;
	[tilespmem:$0x2D80] =	vst v63  }
0x46: {  	_ =	swait.ge [sflag:s9], $0x2800  }
0x47: {  	[sflag:s9] =	ssyncset.done $0x0  }
0x48: {  	s18 =	simm.s32 $0x0;
	[sflag:s9] =	ssyncadd.s32 $0xFFFFD800  }
.LBB2_2:
0x49: {  	p0 =	sne.s32 s18, $0x9E00  }
.Ltmp0:
0x4a: {  	_ = 	snop;
	(pc) =	sbr.rel @p0 .LBB2_2-.Ltmp0, $3  }
0x4b: {  	_ =	sdelay $0x1  }
0x4c: {  	s19 =	sshra.s32 s18, $0x2;
	s18 =	sadd.s32 $0x200, s18  }
0x4d: {  	[spmem:s1] =	stream.indirect.scatter.add.f32 [tilespmem:s11], [sflag:$0x1], $0x1, s19, s10, $0xb8;
	[tilespmem:$0x2D80] =	vst v63  }
0x4e: {  	_ =	swait.ge [sflag:s12], $0x80  }
0x4f: {  	s18 =	simm.s32 $0x4F;
	[sflag:s12] =	ssyncset.done $0x0  }
.LBB2_4:
0x50: {  	p0 =	sne.s32 s18, $0x1;
	s18 =	sadd.s32 $0xFFFFFFFF, s18;
	[sflag:s12] =	ssyncadd.s32 $0xFFFFFF80  }
.Ltmp1:
0x51: {  	(pc) =	sbr.rel @p0 .LBB2_4-.Ltmp1, $3  }
0x52: {  	_ =	sdelay $0x1  }
0x53: {  	_ =	swait.ge [sflag:s12], $0x80  }
0x54: {  	[sflag:s12] =	ssyncset.done $0x0  }
0x55: {  	s17 =	sadd.s32 $0x1, s17  }
0x56: {  	[sflag:s12] =	ssyncadd.s32 $0xFFFFFF80;
	p0 =	sne.s32 s17, s7  }
.Ltmp2:
0x57: {  	[bflag:$0x0] =	sbarrier.arrive $0xFFFF;
	(pc) =	sbr.rel @p0 .LBB2_1-.Ltmp2, $4  }
0x58: {  	[hbm:s6@s15], [sflag:s13] =	dma.strided [spmem:s14@s16], $0x50, s12, $0x10   }
0x59: {  	_ =	swait.ge [sflag:s9], $0x50  }
0x5a: {  	[sflag:s9] =	ssyncset.done $0x0  }
0x5b: {  	[sflag:s9] =	ssyncadd.s32 $0xFFFFFFB0  }
0x5c: {  	_ =	sfence.sel $0x180000  }
0x5d: {  	[bflag:$0x0] =	sbarrier.arrive $0xFFFF  }
0x5e: {  	p0 =	sne.s32 s2, $0x0;
	_ =	strace $0x90000047  }
0x5f: {  	s0 =	sadd.s32 @!p0 $0x100000, s0;
	[bflag:$0x2] =	sbarrier.arrive $0xFFFF  }
0x60: {  	[sflag:s0] =	ssyncadd.tile.s32 @!p0 $0x1;
	_ =	shalt  }
.Lfunc_end2:
_tile_overlayer_lowered:
.L_overlay_start_2:
0x61: {  	(tag) =	ssettag $0x2  }
0x62: {  	s0 =	rddreg [dreg:$0x0];
	s2 =	stileid.u32  }
0x63: {  	s1 =	rddreg [dreg:$0x1];
	p0 =	sne.s32 s2, $0x0  }
0x64: {  	s3 =	rddreg [dreg:$0x2];
	[bflag:$0x3] =	sbarrier.arrive $0xFFFF;
	s2 =	simm.s32 @!p0 $0x1C02  }
0x65: {  	[timem:s3], [sflag:s2] =	dma.local @!p0 [hbm:s0], s1  }
0x66: {  	s0 =	simm.s32 @!p0 $0x2  }
0x67: {  	_ =	swait.ge @!p0 [sflag:s0], s1  }
0x68: {  	s1 =	ssub.s32 @!p0 $0x0, s1;
	[sflag:s0] =	ssyncset.done @!p0 $0x0  }
0x69: {  	[sflag:s0] =	ssyncadd.s32 @!p0 s1  }
0x6a: {  	[bflag:$0x3] =	sbarrier.arrive $0xFFFF  }
0x6b: {  	_ =	shalt  }

</sc_bundles>
